<compile_context>
chip_gen: v7x
topology: tpu7x:2x2x1
jax: 0.10.2.dev20260603
libtpu: 0.0.44.dev20260713+nightly
codegen_flags: <defaults>
</compile_context>

<pallas_src>
import functools

import jax
import jax.numpy as jnp
import numpy as np
from jax.experimental import pallas as pl
from jax.experimental.pallas import tpu as pltpu
from jax.experimental.pallas import tpu_sc as plsc

N = 32
ALPHA = 0.1
DT = 0.1
EPS = 1e-9
ANGLE_MIN = -float(np.pi) / 2.0
ANGLE_MAX = float(np.pi) / 2.0


def _sin_poly(x):
    z = x * x
    return x * (1.0 + z * (-1.0 / 6.0 + z * (1.0 / 120.0 + z * (-1.0 / 5040.0
        + z * (1.0 / 362880.0 + z * (-1.0 / 39916800.0))))))


def _cos_poly(x):
    z = x * x
    return 1.0 + z * (-0.5 + z * (1.0 / 24.0 + z * (-1.0 / 720.0
        + z * (1.0 / 40320.0 + z * (-1.0 / 3628800.0 + z * (1.0 / 479001600.0))))))


def _permute(v, idx):
    return v.at[idx].get(mode="promise_in_bounds")


@functools.partial(
    pl.kernel,
    out_type=jax.ShapeDtypeStruct((N,), jnp.float32),
    mesh=plsc.VectorSubcoreMesh(core_axis_name="c", subcore_axis_name="s",
                                num_cores=1, num_subcores=1),
    compiler_params=pltpu.CompilerParams(
        needs_layout_passes=False,
        disable_bounds_checks=True,
        disable_semaphore_checks=True,
        skip_device_barrier=True,
    ),
    scratch_types=[
        pltpu.VMEM((N,), jnp.float32),
        pltpu.VMEM((N,), jnp.float32),
        pltpu.VMEM((N,), jnp.float32),
        pltpu.VMEM((N,), jnp.float32),
        pltpu.VMEM((N,), jnp.float32),
        pltpu.VMEM((2 * N,), jnp.float32),
        pltpu.VMEM((2 * N,), jnp.float32),
        pltpu.VMEM((N,), jnp.float32),
        pltpu.SemaphoreType.DMA,
    ],
)
def _cpg_sc(ph_hbm, am_hbm, w_hbm, ha_hbm, b_hbm, xy_hbm, xd_hbm, out_hbm,
            ph_v, am_v, w_v, ha_v, b_v, xy_v, xd_v, out_v, sem):
    copies = [
        pltpu.make_async_copy(ph_hbm, ph_v, sem),
        pltpu.make_async_copy(am_hbm, am_v, sem),
        pltpu.make_async_copy(w_hbm, w_v, sem),
        pltpu.make_async_copy(ha_hbm, ha_v, sem),
        pltpu.make_async_copy(b_hbm, b_v, sem),
        pltpu.make_async_copy(xy_hbm, xy_v, sem),
        pltpu.make_async_copy(xd_hbm, xd_v, sem),
    ]
    for cp in copies:
        cp.start()
    for cp in copies:
        cp.wait()

    lanes = jax.lax.iota(jnp.int32, 16)
    idx_e = (2 * lanes) & 15
    idx_o = idx_e + 1
    low = lanes < 8

    stash = []
    acc_a = jnp.float32(0.0)
    acc_c = jnp.float32(0.0)
    for k in range(N // 16):
        ph = ph_v[pl.ds(16 * k, 16)]
        s = _sin_poly(ph)
        c = _cos_poly(ph)
        v_lo = xy_v[pl.ds(32 * k, 16)]
        v_hi = xy_v[pl.ds(32 * k + 16, 16)]
        x = jnp.where(low, _permute(v_lo, idx_e), _permute(v_hi, idx_e))
        y = jnp.where(low, _permute(v_lo, idx_o), _permute(v_hi, idx_o))
        acc_a = acc_a + jnp.sum(c * x + s * y)
        acc_c = acc_c + jnp.sum(c * y - s * x)
        stash.append((s, c, x, y))

    for k in range(N // 16):
        s, c, x, y = stash[k]
        wv = w_v[pl.ds(16 * k, 16)]
        hav = ha_v[pl.ds(16 * k, 16)]
        amv = am_v[pl.ds(16 * k, 16)]
        bv = b_v[pl.ds(16 * k, 16)]
        d_lo = xd_v[pl.ds(32 * k, 16)]
        d_hi = xd_v[pl.ds(32 * k + 16, 16)]
        xd0 = jnp.where(low, _permute(d_lo, idx_e), _permute(d_hi, idx_e))
        term_a = ALPHA * (1.0 - (x * x + y * y))
        zeta = 1.0 - hav * ((xd0 + EPS) / (jnp.abs(xd0) + EPS))
        term_b = wv / (zeta + EPS)
        ydot = term_b * x + term_a * y + s * acc_a + c * acc_c
        y_new = y + DT * ydot
        ang = jnp.clip(amv * y_new + bv, ANGLE_MIN, ANGLE_MAX)
        out_v[pl.ds(16 * k, 16)] = ang

    pltpu.sync_copy(out_v, out_hbm)


def kernel(phase, amplitudes, w, ha, b, xy, xy_dot_old):
    return _cpg_sc(phase, amplitudes, w, ha, b,
                   xy.reshape(2 * N), xy_dot_old.reshape(2 * N))

# --- scband reference (transcript-rebuilt; emitter-appended) ---
"""Pipeline reference for scband-na-cpgbeta-32023276158979 (READ-ONLY COPY).

The authoritative reference and input builder live on the scoring server;
editing this copy changes nothing except your own understanding.
"""

import jax, jax.numpy as jnp
import numpy as np

N = 32
ALPHA = 0.1
DT = 0.1
EPS = 1e-9
ANGLE_MIN = -float(np.pi) / 2.0
ANGLE_MAX = float(np.pi) / 2.0


def _forward(phase, amplitudes, w, ha, b, xy, xy_dot_old):
    # rotation coupling matrix r[i, j] = R(phase[i] - phase[j]); identity on the diagonal
    pd = phase[:, None] - phase[None, :]
    cos_d = jnp.cos(pd)
    sin_d = jnp.sin(pd)
    r = jnp.stack([jnp.stack([cos_d, -sin_d], axis=-1), jnp.stack([sin_d, cos_d], axis=-1)], axis=-2)
    mask = jnp.eye(N, dtype=bool)[:, :, None, None]
    r = jnp.where(mask, jnp.eye(2, dtype=r.dtype)[None, None, :, :], r)
    # Hopf-style oscillator dynamics (normalized asymmetric CPG)
    r_norm = jnp.sqrt(jnp.sum(xy * xy, axis=-1))
    term_a = ALPHA * (1.0 - r_norm ** 2)
    zeta = 1.0 - ha * ((xy_dot_old[:, 0] + EPS) / (jnp.abs(xy_dot_old[:, 0]) + EPS))
    term_b = (1.0 / (zeta + EPS)) * w
    F = jnp.stack([jnp.stack([term_a, -term_b], axis=-1), jnp.stack([term_b, term_a], axis=-1)], axis=-2)
    self_term = jnp.einsum('nij,nj->ni', F, xy)
    coupling = jnp.einsum('mnij,nj->mi', r, xy)
    xy_dot = self_term + coupling
    xy_new = xy + DT * xy_dot
    angles = amplitudes * xy_new[:, 1] + b
    angles = jnp.clip(angles, ANGLE_MIN, ANGLE_MAX)
    return angles


def setup_inputs(seed: int = 0):
    key = jax.random.key(seed)
    ks = jax.random.split(key, 7)
    phase = jax.random.uniform(ks[0], (N,), dtype=jnp.float32, minval=0.0, maxval=2.0)
    amplitudes = jax.random.uniform(ks[1], (N,), dtype=jnp.float32, minval=0.0, maxval=2.0)
    w = jax.random.uniform(ks[2], (N,), dtype=jnp.float32, minval=0.0, maxval=2.0)
    ha = jax.random.uniform(ks[3], (N,), dtype=jnp.float32, minval=0.0, maxval=2.0)
    b = jax.random.uniform(ks[4], (N,), dtype=jnp.float32, minval=0.0, maxval=2.0)
    xy = jnp.where(jax.random.bernoulli(ks[5], 0.5, (N, 2)), 0.1, -0.1).astype(jnp.float32)
    xy_dot_old = jnp.where(jax.random.bernoulli(ks[6], 0.5, (N, 2)), 0.1, -0.1).astype(jnp.float32)
    return {'phase': phase, 'amplitudes': amplitudes, 'w': w, 'ha': ha, 'b': b, 'xy': xy, 'xy_dot_old': xy_dot_old}


def reference(phase, amplitudes, w, ha, b, xy, xy_dot_old):
    return _forward(phase, amplitudes, w, ha, b, xy, xy_dot_old)

if __name__ == "__main__":
    import jax
    _d = setup_inputs()
    print(jax.jit(kernel)(*tuple(_d.values())))

</pallas_src>

<mosaic_0001>
#map = affine_map<(d0, d1) -> (0)>
module attributes {stable_mosaic.version = 14 : i64} {
  func.func @_cpg_sc(%arg0: i32, %arg1: i32, %arg2: memref<32xf32, #tpu.memory_space<hbm>>, %arg3: memref<32xf32, #tpu.memory_space<hbm>>, %arg4: memref<32xf32, #tpu.memory_space<hbm>>, %arg5: memref<32xf32, #tpu.memory_space<hbm>>, %arg6: memref<32xf32, #tpu.memory_space<hbm>>, %arg7: memref<64xf32, #tpu.memory_space<hbm>>, %arg8: memref<64xf32, #tpu.memory_space<hbm>>, %arg9: memref<32xf32, #tpu.memory_space<hbm>>, %arg10: memref<32xf32, #tpu.memory_space<vmem>>, %arg11: memref<32xf32, #tpu.memory_space<vmem>>, %arg12: memref<32xf32, #tpu.memory_space<vmem>>, %arg13: memref<32xf32, #tpu.memory_space<vmem>>, %arg14: memref<32xf32, #tpu.memory_space<vmem>>, %arg15: memref<64xf32, #tpu.memory_space<vmem>>, %arg16: memref<64xf32, #tpu.memory_space<vmem>>, %arg17: memref<32xf32, #tpu.memory_space<vmem>>, %arg18: memref<!tpu.dma_semaphore, #tpu.memory_space<semaphore_mem>>) attributes {dimension_semantics = [#tpu.dimension_semantics<core_parallel>, #tpu.dimension_semantics<subcore_parallel>], iteration_bounds = array<i64: 1, 1>, scalar_prefetch = 0 : i64, scratch_operands = 9 : i64, tpu.core_type = #tpu.core_type<sc_vector_subcore>, window_params = [{transform_indices = #map}, {transform_indices = #map}, {transform_indices = #map}, {transform_indices = #map}, {transform_indices = #map}, {transform_indices = #map}, {transform_indices = #map}, {transform_indices = #map}]} {
    tpu.enqueue_dma source(%arg2 : memref<32xf32, #tpu.memory_space<hbm>>) target(%arg10 : memref<32xf32, #tpu.memory_space<vmem>>) target_semaphore(%arg18 : memref<!tpu.dma_semaphore, #tpu.memory_space<semaphore_mem>>)
    tpu.enqueue_dma source(%arg3 : memref<32xf32, #tpu.memory_space<hbm>>) target(%arg11 : memref<32xf32, #tpu.memory_space<vmem>>) target_semaphore(%arg18 : memref<!tpu.dma_semaphore, #tpu.memory_space<semaphore_mem>>)
    tpu.enqueue_dma source(%arg4 : memref<32xf32, #tpu.memory_space<hbm>>) target(%arg12 : memref<32xf32, #tpu.memory_space<vmem>>) target_semaphore(%arg18 : memref<!tpu.dma_semaphore, #tpu.memory_space<semaphore_mem>>)
    tpu.enqueue_dma source(%arg5 : memref<32xf32, #tpu.memory_space<hbm>>) target(%arg13 : memref<32xf32, #tpu.memory_space<vmem>>) target_semaphore(%arg18 : memref<!tpu.dma_semaphore, #tpu.memory_space<semaphore_mem>>)
    tpu.enqueue_dma source(%arg6 : memref<32xf32, #tpu.memory_space<hbm>>) target(%arg14 : memref<32xf32, #tpu.memory_space<vmem>>) target_semaphore(%arg18 : memref<!tpu.dma_semaphore, #tpu.memory_space<semaphore_mem>>)
    tpu.enqueue_dma source(%arg7 : memref<64xf32, #tpu.memory_space<hbm>>) target(%arg15 : memref<64xf32, #tpu.memory_space<vmem>>) target_semaphore(%arg18 : memref<!tpu.dma_semaphore, #tpu.memory_space<semaphore_mem>>)
    tpu.enqueue_dma source(%arg8 : memref<64xf32, #tpu.memory_space<hbm>>) target(%arg16 : memref<64xf32, #tpu.memory_space<vmem>>) target_semaphore(%arg18 : memref<!tpu.dma_semaphore, #tpu.memory_space<semaphore_mem>>)
    tpu.wait_dma2 semaphore(%arg18 : memref<!tpu.dma_semaphore, #tpu.memory_space<semaphore_mem>>) src(%arg2 : memref<32xf32, #tpu.memory_space<hbm>>) dst(%arg10 : memref<32xf32, #tpu.memory_space<vmem>>)
    tpu.wait_dma2 semaphore(%arg18 : memref<!tpu.dma_semaphore, #tpu.memory_space<semaphore_mem>>) src(%arg3 : memref<32xf32, #tpu.memory_space<hbm>>) dst(%arg11 : memref<32xf32, #tpu.memory_space<vmem>>)
    tpu.wait_dma2 semaphore(%arg18 : memref<!tpu.dma_semaphore, #tpu.memory_space<semaphore_mem>>) src(%arg4 : memref<32xf32, #tpu.memory_space<hbm>>) dst(%arg12 : memref<32xf32, #tpu.memory_space<vmem>>)
    tpu.wait_dma2 semaphore(%arg18 : memref<!tpu.dma_semaphore, #tpu.memory_space<semaphore_mem>>) src(%arg5 : memref<32xf32, #tpu.memory_space<hbm>>) dst(%arg13 : memref<32xf32, #tpu.memory_space<vmem>>)
    tpu.wait_dma2 semaphore(%arg18 : memref<!tpu.dma_semaphore, #tpu.memory_space<semaphore_mem>>) src(%arg6 : memref<32xf32, #tpu.memory_space<hbm>>) dst(%arg14 : memref<32xf32, #tpu.memory_space<vmem>>)
    tpu.wait_dma2 semaphore(%arg18 : memref<!tpu.dma_semaphore, #tpu.memory_space<semaphore_mem>>) src(%arg7 : memref<64xf32, #tpu.memory_space<hbm>>) dst(%arg15 : memref<64xf32, #tpu.memory_space<vmem>>)
    tpu.wait_dma2 semaphore(%arg18 : memref<!tpu.dma_semaphore, #tpu.memory_space<semaphore_mem>>) src(%arg8 : memref<64xf32, #tpu.memory_space<hbm>>) dst(%arg16 : memref<64xf32, #tpu.memory_space<vmem>>)
    %iota3A = tpu.iota {dimensions = array<i32: 0>} : vector<16xi32>
    %mul3A = arith.constant 2 : i32
    %mul3A_0 = vector.broadcast %mul3A : i32 to vector<16xi32>
    %mul3A_1 = arith.muli %mul3A_0, %iota3A : vector<16xi32>
    %and3A = arith.constant 15 : i32
    %and3A_2 = vector.broadcast %and3A : i32 to vector<16xi32>
    %and3A_3 = arith.andi %mul3A_1, %and3A_2 : vector<16xi32>
    %add3A = arith.constant 1 : i32
    %add3A_4 = vector.broadcast %add3A : i32 to vector<16xi32>
    %add3A_5 = arith.addi %and3A_3, %add3A_4 : vector<16xi32>
    %lt3A = arith.constant 8 : i32
    %lt3A_6 = vector.broadcast %lt3A : i32 to vector<16xi32>
    %lt3A_7 = arith.cmpi slt, %iota3A, %lt3A_6 : vector<16xi32>
    %get3A = arith.constant 0 : index
    %get3A_8 = tpu.vector_load %arg10[%get3A] {strides = array<i32>} : memref<32xf32, #tpu.memory_space<vmem>>, vector<16xf32>,
    %mul3A_9 = arith.mulf %get3A_8, %get3A_8 : vector<16xf32>
    %mul3A_10 = arith.constant -2.50521079E-8 : f32
    %mul3A_11 = vector.broadcast %mul3A_10 : f32 to vector<16xf32>
    %mul3A_12 = arith.mulf %mul3A_9, %mul3A_11 : vector<16xf32>
    %add3A_13 = arith.constant 2.75573188E-6 : f32
    %add3A_14 = vector.broadcast %add3A_13 : f32 to vector<16xf32>
    %add3A_15 = arith.addf %add3A_14, %mul3A_12 : vector<16xf32>
    %mul3A_16 = arith.mulf %mul3A_9, %add3A_15 : vector<16xf32>
    %add3A_17 = arith.constant -1.98412701E-4 : f32
    %add3A_18 = vector.broadcast %add3A_17 : f32 to vector<16xf32>
    %add3A_19 = arith.addf %add3A_18, %mul3A_16 : vector<16xf32>
    %mul3A_20 = arith.mulf %mul3A_9, %add3A_19 : vector<16xf32>
    %add3A_21 = arith.constant 0.00833333377 : f32
    %add3A_22 = vector.broadcast %add3A_21 : f32 to vector<16xf32>
    %add3A_23 = arith.addf %add3A_22, %mul3A_20 : vector<16xf32>
    %mul3A_24 = arith.mulf %mul3A_9, %add3A_23 : vector<16xf32>
    %add3A_25 = arith.constant -0.166666672 : f32
    %add3A_26 = vector.broadcast %add3A_25 : f32 to vector<16xf32>
    %add3A_27 = arith.addf %add3A_26, %mul3A_24 : vector<16xf32>
    %mul3A_28 = arith.mulf %mul3A_9, %add3A_27 : vector<16xf32>
    %add3A_29 = arith.constant 1.000000e+00 : f32
    %add3A_30 = vector.broadcast %add3A_29 : f32 to vector<16xf32>
    %add3A_31 = arith.addf %add3A_30, %mul3A_28 : vector<16xf32>
    %mul3A_32 = arith.mulf %get3A_8, %add3A_31 : vector<16xf32>
    %mul3A_33 = arith.mulf %get3A_8, %get3A_8 : vector<16xf32>
    %mul3A_34 = arith.constant 2.08767559E-9 : f32
    %mul3A_35 = vector.broadcast %mul3A_34 : f32 to vector<16xf32>
    %mul3A_36 = arith.mulf %mul3A_33, %mul3A_35 : vector<16xf32>
    %add3A_37 = arith.constant -2.755732E-7 : f32
    %add3A_38 = vector.broadcast %add3A_37 : f32 to vector<16xf32>
    %add3A_39 = arith.addf %add3A_38, %mul3A_36 : vector<16xf32>
    %mul3A_40 = arith.mulf %mul3A_33, %add3A_39 : vector<16xf32>
    %add3A_41 = arith.constant 2.48015876E-5 : f32
    %add3A_42 = vector.broadcast %add3A_41 : f32 to vector<16xf32>
    %add3A_43 = arith.addf %add3A_42, %mul3A_40 : vector<16xf32>
    %mul3A_44 = arith.mulf %mul3A_33, %add3A_43 : vector<16xf32>
    %add3A_45 = arith.constant -0.00138888892 : f32
    %add3A_46 = vector.broadcast %add3A_45 : f32 to vector<16xf32>
    %add3A_47 = arith.addf %add3A_46, %mul3A_44 : vector<16xf32>
    %mul3A_48 = arith.mulf %mul3A_33, %add3A_47 : vector<16xf32>
    %add3A_49 = arith.constant 0.0416666679 : f32
    %add3A_50 = vector.broadcast %add3A_49 : f32 to vector<16xf32>
    %add3A_51 = arith.addf %add3A_50, %mul3A_48 : vector<16xf32>
    %mul3A_52 = arith.mulf %mul3A_33, %add3A_51 : vector<16xf32>
    %add3A_53 = arith.constant -5.000000e-01 : f32
    %add3A_54 = vector.broadcast %add3A_53 : f32 to vector<16xf32>
    %add3A_55 = arith.addf %add3A_54, %mul3A_52 : vector<16xf32>
    %mul3A_56 = arith.mulf %mul3A_33, %add3A_55 : vector<16xf32>
    %add3A_57 = arith.constant 1.000000e+00 : f32
    %add3A_58 = vector.broadcast %add3A_57 : f32 to vector<16xf32>
    %add3A_59 = arith.addf %add3A_58, %mul3A_56 : vector<16xf32>
    %get3A_60 = arith.constant 0 : index
    %get3A_61 = tpu.vector_load %arg15[%get3A_60] {strides = array<i32>} : memref<64xf32, #tpu.memory_space<vmem>>, vector<16xf32>,
    %get3A_62 = arith.constant 16 : index
    %get3A_63 = tpu.vector_load %arg15[%get3A_62] {strides = array<i32>} : memref<64xf32, #tpu.memory_space<vmem>>, vector<16xf32>,
    %lt3A_64 = arith.constant 0 : i32
    %lt3A_65 = vector.broadcast %lt3A_64 : i32 to vector<16xi32>
    %lt3A_66 = arith.cmpi slt, %and3A_3, %lt3A_65 : vector<16xi32>
    %add3A_67 = arith.constant 16 : i32
    %add3A_68 = vector.broadcast %add3A_67 : i32 to vector<16xi32>
    %add3A_69 = arith.addi %and3A_3, %add3A_68 : vector<16xi32>
    %select_n3A = arith.select %lt3A_66, %add3A_69, %and3A_3 : vector<16xi1>, vector<16xi32>
    %broadcast_in_dim3A = vector.shape_cast %select_n3A : vector<16xi32> to vector<16x1xi32>
    %gather3A = vector.shape_cast %broadcast_in_dim3A : vector<16x1xi32> to vector<16xi32>
    %gather3A_70 = tpu.dynamic_gather %get3A_61[%gather3A] in [0] : vector<16xf32>, vector<16xi32> -> vector<16xf32>
    %lt3A_71 = arith.constant 0 : i32
    %lt3A_72 = vector.broadcast %lt3A_71 : i32 to vector<16xi32>
    %lt3A_73 = arith.cmpi slt, %and3A_3, %lt3A_72 : vector<16xi32>
    %add3A_74 = arith.constant 16 : i32
    %add3A_75 = vector.broadcast %add3A_74 : i32 to vector<16xi32>
    %add3A_76 = arith.addi %and3A_3, %add3A_75 : vector<16xi32>
    %select_n3A_77 = arith.select %lt3A_73, %add3A_76, %and3A_3 : vector<16xi1>, vector<16xi32>
    %broadcast_in_dim3A_78 = vector.shape_cast %select_n3A_77 : vector<16xi32> to vector<16x1xi32>
    %gather3A_79 = vector.shape_cast %broadcast_in_dim3A_78 : vector<16x1xi32> to vector<16xi32>
    %gather3A_80 = tpu.dynamic_gather %get3A_63[%gather3A_79] in [0] : vector<16xf32>, vector<16xi32> -> vector<16xf32>
    %select_n3A_81 = arith.select %lt3A_7, %gather3A_70, %gather3A_80 : vector<16xi1>, vector<16xf32>
    %lt3A_82 = arith.constant 0 : i32
    %lt3A_83 = vector.broadcast %lt3A_82 : i32 to vector<16xi32>
    %lt3A_84 = arith.cmpi slt, %add3A_5, %lt3A_83 : vector<16xi32>
    %add3A_85 = arith.constant 16 : i32
    %add3A_86 = vector.broadcast %add3A_85 : i32 to vector<16xi32>
    %add3A_87 = arith.addi %add3A_5, %add3A_86 : vector<16xi32>
    %select_n3A_88 = arith.select %lt3A_84, %add3A_87, %add3A_5 : vector<16xi1>, vector<16xi32>
    %broadcast_in_dim3A_89 = vector.shape_cast %select_n3A_88 : vector<16xi32> to vector<16x1xi32>
    %gather3A_90 = vector.shape_cast %broadcast_in_dim3A_89 : vector<16x1xi32> to vector<16xi32>
    %gather3A_91 = tpu.dynamic_gather %get3A_61[%gather3A_90] in [0] : vector<16xf32>, vector<16xi32> -> vector<16xf32>
    %lt3A_92 = arith.constant 0 : i32
    %lt3A_93 = vector.broadcast %lt3A_92 : i32 to vector<16xi32>
    %lt3A_94 = arith.cmpi slt, %add3A_5, %lt3A_93 : vector<16xi32>
    %add3A_95 = arith.constant 16 : i32
    %add3A_96 = vector.broadcast %add3A_95 : i32 to vector<16xi32>
    %add3A_97 = arith.addi %add3A_5, %add3A_96 : vector<16xi32>
    %select_n3A_98 = arith.select %lt3A_94, %add3A_97, %add3A_5 : vector<16xi1>, vector<16xi32>
    %broadcast_in_dim3A_99 = vector.shape_cast %select_n3A_98 : vector<16xi32> to vector<16x1xi32>
    %gather3A_100 = vector.shape_cast %broadcast_in_dim3A_99 : vector<16x1xi32> to vector<16xi32>
    %gather3A_101 = tpu.dynamic_gather %get3A_63[%gather3A_100] in [0] : vector<16xf32>, vector<16xi32> -> vector<16xf32>
    %select_n3A_102 = arith.select %lt3A_7, %gather3A_91, %gather3A_101 : vector<16xi1>, vector<16xf32>
    %mul3A_103 = arith.mulf %add3A_59, %select_n3A_81 : vector<16xf32>
    %mul3A_104 = arith.mulf %mul3A_32, %select_n3A_102 : vector<16xf32>
    %add3A_105 = arith.addf %mul3A_103, %mul3A_104 : vector<16xf32>
    %reduce_sum3A = arith.constant true
    %reduce_sum3A_106 = vector.broadcast %reduce_sum3A : i1 to vector<16xi1>
    %reduce_sum3A_107 = tpu.scan <sum>, %add3A_105 masked %reduce_sum3A_106 : vector<16xf32>, vector<16xi1> -> vector<16xf32>
    %reduce_sum3A_108 = vector.extract %reduce_sum3A_107[15] : f32 from vector<16xf32>
    %add3A_109 = arith.constant 0.000000e+00 : f32
    %add3A_110 = arith.addf %add3A_109, %reduce_sum3A_108 : f32
    %mul3A_111 = arith.mulf %add3A_59, %select_n3A_102 : vector<16xf32>
    %mul3A_112 = arith.mulf %mul3A_32, %select_n3A_81 : vector<16xf32>
    %sub3A = arith.subf %mul3A_111, %mul3A_112 : vector<16xf32>
    %reduce_sum3A_113 = arith.constant true
    %reduce_sum3A_114 = vector.broadcast %reduce_sum3A_113 : i1 to vector<16xi1>
    %reduce_sum3A_115 = tpu.scan <sum>, %sub3A masked %reduce_sum3A_114 : vector<16xf32>, vector<16xi1> -> vector<16xf32>
    %reduce_sum3A_116 = vector.extract %reduce_sum3A_115[15] : f32 from vector<16xf32>
    %add3A_117 = arith.constant 0.000000e+00 : f32
    %add3A_118 = arith.addf %add3A_117, %reduce_sum3A_116 : f32
    %get3A_119 = arith.constant 16 : index
    %get3A_120 = tpu.vector_load %arg10[%get3A_119] {strides = array<i32>} : memref<32xf32, #tpu.memory_space<vmem>>, vector<16xf32>,
    %mul3A_121 = arith.mulf %get3A_120, %get3A_120 : vector<16xf32>
    %mul3A_122 = arith.constant -2.50521079E-8 : f32
    %mul3A_123 = vector.broadcast %mul3A_122 : f32 to vector<16xf32>
    %mul3A_124 = arith.mulf %mul3A_121, %mul3A_123 : vector<16xf32>
    %add3A_125 = arith.constant 2.75573188E-6 : f32
    %add3A_126 = vector.broadcast %add3A_125 : f32 to vector<16xf32>
    %add3A_127 = arith.addf %add3A_126, %mul3A_124 : vector<16xf32>
    %mul3A_128 = arith.mulf %mul3A_121, %add3A_127 : vector<16xf32>
    %add3A_129 = arith.constant -1.98412701E-4 : f32
    %add3A_130 = vector.broadcast %add3A_129 : f32 to vector<16xf32>
    %add3A_131 = arith.addf %add3A_130, %mul3A_128 : vector<16xf32>
    %mul3A_132 = arith.mulf %mul3A_121, %add3A_131 : vector<16xf32>
    %add3A_133 = arith.constant 0.00833333377 : f32
    %add3A_134 = vector.broadcast %add3A_133 : f32 to vector<16xf32>
    %add3A_135 = arith.addf %add3A_134, %mul3A_132 : vector<16xf32>
    %mul3A_136 = arith.mulf %mul3A_121, %add3A_135 : vector<16xf32>
    %add3A_137 = arith.constant -0.166666672 : f32
    %add3A_138 = vector.broadcast %add3A_137 : f32 to vector<16xf32>
    %add3A_139 = arith.addf %add3A_138, %mul3A_136 : vector<16xf32>
    %mul3A_140 = arith.mulf %mul3A_121, %add3A_139 : vector<16xf32>
    %add3A_141 = arith.constant 1.000000e+00 : f32
    %add3A_142 = vector.broadcast %add3A_141 : f32 to vector<16xf32>
    %add3A_143 = arith.addf %add3A_142, %mul3A_140 : vector<16xf32>
    %mul3A_144 = arith.mulf %get3A_120, %add3A_143 : vector<16xf32>
    %mul3A_145 = arith.mulf %get3A_120, %get3A_120 : vector<16xf32>
    %mul3A_146 = arith.constant 2.08767559E-9 : f32
    %mul3A_147 = vector.broadcast %mul3A_146 : f32 to vector<16xf32>
    %mul3A_148 = arith.mulf %mul3A_145, %mul3A_147 : vector<16xf32>
    %add3A_149 = arith.constant -2.755732E-7 : f32
    %add3A_150 = vector.broadcast %add3A_149 : f32 to vector<16xf32>
    %add3A_151 = arith.addf %add3A_150, %mul3A_148 : vector<16xf32>
    %mul3A_152 = arith.mulf %mul3A_145, %add3A_151 : vector<16xf32>
    %add3A_153 = arith.constant 2.48015876E-5 : f32
    %add3A_154 = vector.broadcast %add3A_153 : f32 to vector<16xf32>
    %add3A_155 = arith.addf %add3A_154, %mul3A_152 : vector<16xf32>
    %mul3A_156 = arith.mulf %mul3A_145, %add3A_155 : vector<16xf32>
    %add3A_157 = arith.constant -0.00138888892 : f32
    %add3A_158 = vector.broadcast %add3A_157 : f32 to vector<16xf32>
    %add3A_159 = arith.addf %add3A_158, %mul3A_156 : vector<16xf32>
    %mul3A_160 = arith.mulf %mul3A_145, %add3A_159 : vector<16xf32>
    %add3A_161 = arith.constant 0.0416666679 : f32
    %add3A_162 = vector.broadcast %add3A_161 : f32 to vector<16xf32>
    %add3A_163 = arith.addf %add3A_162, %mul3A_160 : vector<16xf32>
    %mul3A_164 = arith.mulf %mul3A_145, %add3A_163 : vector<16xf32>
    %add3A_165 = arith.constant -5.000000e-01 : f32
    %add3A_166 = vector.broadcast %add3A_165 : f32 to vector<16xf32>
    %add3A_167 = arith.addf %add3A_166, %mul3A_164 : vector<16xf32>
    %mul3A_168 = arith.mulf %mul3A_145, %add3A_167 : vector<16xf32>
    %add3A_169 = arith.constant 1.000000e+00 : f32
    %add3A_170 = vector.broadcast %add3A_169 : f32 to vector<16xf32>
    %add3A_171 = arith.addf %add3A_170, %mul3A_168 : vector<16xf32>
    %get3A_172 = arith.constant 32 : index
    %get3A_173 = tpu.vector_load %arg15[%get3A_172] {strides = array<i32>} : memref<64xf32, #tpu.memory_space<vmem>>, vector<16xf32>,
    %get3A_174 = arith.constant 48 : index
    %get3A_175 = tpu.vector_load %arg15[%get3A_174] {strides = array<i32>} : memref<64xf32, #tpu.memory_space<vmem>>, vector<16xf32>,
    %lt3A_176 = arith.constant 0 : i32
    %lt3A_177 = vector.broadcast %lt3A_176 : i32 to vector<16xi32>
    %lt3A_178 = arith.cmpi slt, %and3A_3, %lt3A_177 : vector<16xi32>
    %add3A_179 = arith.constant 16 : i32
    %add3A_180 = vector.broadcast %add3A_179 : i32 to vector<16xi32>
    %add3A_181 = arith.addi %and3A_3, %add3A_180 : vector<16xi32>
    %select_n3A_182 = arith.select %lt3A_178, %add3A_181, %and3A_3 : vector<16xi1>, vector<16xi32>
    %broadcast_in_dim3A_183 = vector.shape_cast %select_n3A_182 : vector<16xi32> to vector<16x1xi32>
    %gather3A_184 = vector.shape_cast %broadcast_in_dim3A_183 : vector<16x1xi32> to vector<16xi32>
    %gather3A_185 = tpu.dynamic_gather %get3A_173[%gather3A_184] in [0] : vector<16xf32>, vector<16xi32> -> vector<16xf32>
    %lt3A_186 = arith.constant 0 : i32
    %lt3A_187 = vector.broadcast %lt3A_186 : i32 to vector<16xi32>
    %lt3A_188 = arith.cmpi slt, %and3A_3, %lt3A_187 : vector<16xi32>
    %add3A_189 = arith.constant 16 : i32
    %add3A_190 = vector.broadcast %add3A_189 : i32 to vector<16xi32>
    %add3A_191 = arith.addi %and3A_3, %add3A_190 : vector<16xi32>
    %select_n3A_192 = arith.select %lt3A_188, %add3A_191, %and3A_3 : vector<16xi1>, vector<16xi32>
    %broadcast_in_dim3A_193 = vector.shape_cast %select_n3A_192 : vector<16xi32> to vector<16x1xi32>
    %gather3A_194 = vector.shape_cast %broadcast_in_dim3A_193 : vector<16x1xi32> to vector<16xi32>
    %gather3A_195 = tpu.dynamic_gather %get3A_175[%gather3A_194] in [0] : vector<16xf32>, vector<16xi32> -> vector<16xf32>
    %select_n3A_196 = arith.select %lt3A_7, %gather3A_185, %gather3A_195 : vector<16xi1>, vector<16xf32>
    %lt3A_197 = arith.constant 0 : i32
    %lt3A_198 = vector.broadcast %lt3A_197 : i32 to vector<16xi32>
    %lt3A_199 = arith.cmpi slt, %add3A_5, %lt3A_198 : vector<16xi32>
    %add3A_200 = arith.constant 16 : i32
    %add3A_201 = vector.broadcast %add3A_200 : i32 to vector<16xi32>
    %add3A_202 = arith.addi %add3A_5, %add3A_201 : vector<16xi32>
    %select_n3A_203 = arith.select %lt3A_199, %add3A_202, %add3A_5 : vector<16xi1>, vector<16xi32>
    %broadcast_in_dim3A_204 = vector.shape_cast %select_n3A_203 : vector<16xi32> to vector<16x1xi32>
    %gather3A_205 = vector.shape_cast %broadcast_in_dim3A_204 : vector<16x1xi32> to vector<16xi32>
    %gather3A_206 = tpu.dynamic_gather %get3A_173[%gather3A_205] in [0] : vector<16xf32>, vector<16xi32> -> vector<16xf32>
    %lt3A_207 = arith.constant 0 : i32
    %lt3A_208 = vector.broadcast %lt3A_207 : i32 to vector<16xi32>
    %lt3A_209 = arith.cmpi slt, %add3A_5, %lt3A_208 : vector<16xi32>
    %add3A_210 = arith.constant 16 : i32
    %add3A_211 = vector.broadcast %add3A_210 : i32 to vector<16xi32>
    %add3A_212 = arith.addi %add3A_5, %add3A_211 : vector<16xi32>
    %select_n3A_213 = arith.select %lt3A_209, %add3A_212, %add3A_5 : vector<16xi1>, vector<16xi32>
    %broadcast_in_dim3A_214 = vector.shape_cast %select_n3A_213 : vector<16xi32> to vector<16x1xi32>
    %gather3A_215 = vector.shape_cast %broadcast_in_dim3A_214 : vector<16x1xi32> to vector<16xi32>
    %gather3A_216 = tpu.dynamic_gather %get3A_175[%gather3A_215] in [0] : vector<16xf32>, vector<16xi32> -> vector<16xf32>
    %select_n3A_217 = arith.select %lt3A_7, %gather3A_206, %gather3A_216 : vector<16xi1>, vector<16xf32>
    %mul3A_218 = arith.mulf %add3A_171, %select_n3A_196 : vector<16xf32>
    %mul3A_219 = arith.mulf %mul3A_144, %select_n3A_217 : vector<16xf32>
    %add3A_220 = arith.addf %mul3A_218, %mul3A_219 : vector<16xf32>
    %reduce_sum3A_221 = arith.constant true
    %reduce_sum3A_222 = vector.broadcast %reduce_sum3A_221 : i1 to vector<16xi1>
    %reduce_sum3A_223 = tpu.scan <sum>, %add3A_220 masked %reduce_sum3A_222 : vector<16xf32>, vector<16xi1> -> vector<16xf32>
    %reduce_sum3A_224 = vector.extract %reduce_sum3A_223[15] : f32 from vector<16xf32>
    %add3A_225 = arith.addf %add3A_110, %reduce_sum3A_224 : f32
    %mul3A_226 = arith.mulf %add3A_171, %select_n3A_217 : vector<16xf32>
    %mul3A_227 = arith.mulf %mul3A_144, %select_n3A_196 : vector<16xf32>
    %sub3A_228 = arith.subf %mul3A_226, %mul3A_227 : vector<16xf32>
    %reduce_sum3A_229 = arith.constant true
    %reduce_sum3A_230 = vector.broadcast %reduce_sum3A_229 : i1 to vector<16xi1>
    %reduce_sum3A_231 = tpu.scan <sum>, %sub3A_228 masked %reduce_sum3A_230 : vector<16xf32>, vector<16xi1> -> vector<16xf32>
    %reduce_sum3A_232 = vector.extract %reduce_sum3A_231[15] : f32 from vector<16xf32>
    %add3A_233 = arith.addf %add3A_118, %reduce_sum3A_232 : f32
    %get3A_234 = arith.constant 0 : index
    %get3A_235 = tpu.vector_load %arg12[%get3A_234] {strides = array<i32>} : memref<32xf32, #tpu.memory_space<vmem>>, vector<16xf32>,
    %get3A_236 = arith.constant 0 : index
    %get3A_237 = tpu.vector_load %arg13[%get3A_236] {strides = array<i32>} : memref<32xf32, #tpu.memory_space<vmem>>, vector<16xf32>,
    %get3A_238 = arith.constant 0 : index
    %get3A_239 = tpu.vector_load %arg11[%get3A_238] {strides = array<i32>} : memref<32xf32, #tpu.memory_space<vmem>>, vector<16xf32>,
    %get3A_240 = arith.constant 0 : index
    %get3A_241 = tpu.vector_load %arg14[%get3A_240] {strides = array<i32>} : memref<32xf32, #tpu.memory_space<vmem>>, vector<16xf32>,
    %get3A_242 = arith.constant 0 : index
    %get3A_243 = tpu.vector_load %arg16[%get3A_242] {strides = array<i32>} : memref<64xf32, #tpu.memory_space<vmem>>, vector<16xf32>,
    %get3A_244 = arith.constant 16 : index
    %get3A_245 = tpu.vector_load %arg16[%get3A_244] {strides = array<i32>} : memref<64xf32, #tpu.memory_space<vmem>>, vector<16xf32>,
    %lt3A_246 = arith.constant 0 : i32
    %lt3A_247 = vector.broadcast %lt3A_246 : i32 to vector<16xi32>
    %lt3A_248 = arith.cmpi slt, %and3A_3, %lt3A_247 : vector<16xi32>
    %add3A_249 = arith.constant 16 : i32
    %add3A_250 = vector.broadcast %add3A_249 : i32 to vector<16xi32>
    %add3A_251 = arith.addi %and3A_3, %add3A_250 : vector<16xi32>
    %select_n3A_252 = arith.select %lt3A_248, %add3A_251, %and3A_3 : vector<16xi1>, vector<16xi32>
    %broadcast_in_dim3A_253 = vector.shape_cast %select_n3A_252 : vector<16xi32> to vector<16x1xi32>
    %gather3A_254 = vector.shape_cast %broadcast_in_dim3A_253 : vector<16x1xi32> to vector<16xi32>
    %gather3A_255 = tpu.dynamic_gather %get3A_243[%gather3A_254] in [0] : vector<16xf32>, vector<16xi32> -> vector<16xf32>
    %lt3A_256 = arith.constant 0 : i32
    %lt3A_257 = vector.broadcast %lt3A_256 : i32 to vector<16xi32>
    %lt3A_258 = arith.cmpi slt, %and3A_3, %lt3A_257 : vector<16xi32>
    %add3A_259 = arith.constant 16 : i32
    %add3A_260 = vector.broadcast %add3A_259 : i32 to vector<16xi32>
    %add3A_261 = arith.addi %and3A_3, %add3A_260 : vector<16xi32>
    %select_n3A_262 = arith.select %lt3A_258, %add3A_261, %and3A_3 : vector<16xi1>, vector<16xi32>
    %broadcast_in_dim3A_263 = vector.shape_cast %select_n3A_262 : vector<16xi32> to vector<16x1xi32>
    %gather3A_264 = vector.shape_cast %broadcast_in_dim3A_263 : vector<16x1xi32> to vector<16xi32>
    %gather3A_265 = tpu.dynamic_gather %get3A_245[%gather3A_264] in [0] : vector<16xf32>, vector<16xi32> -> vector<16xf32>
    %select_n3A_266 = arith.select %lt3A_7, %gather3A_255, %gather3A_265 : vector<16xi1>, vector<16xf32>
    %mul3A_267 = arith.mulf %select_n3A_81, %select_n3A_81 : vector<16xf32>
    %mul3A_268 = arith.mulf %select_n3A_102, %select_n3A_102 : vector<16xf32>
    %add3A_269 = arith.addf %mul3A_267, %mul3A_268 : vector<16xf32>
    %sub3A_270 = arith.constant 1.000000e+00 : f32
    %sub3A_271 = vector.broadcast %sub3A_270 : f32 to vector<16xf32>
    %sub3A_272 = arith.subf %sub3A_271, %add3A_269 : vector<16xf32>
    %mul3A_273 = arith.constant 1.000000e-01 : f32
    %mul3A_274 = vector.broadcast %mul3A_273 : f32 to vector<16xf32>
    %mul3A_275 = arith.mulf %mul3A_274, %sub3A_272 : vector<16xf32>
    %add3A_276 = arith.constant 9.99999971E-10 : f32
    %add3A_277 = vector.broadcast %add3A_276 : f32 to vector<16xf32>
    %add3A_278 = arith.addf %select_n3A_266, %add3A_277 : vector<16xf32>
    %abs3A = math.absf %select_n3A_266 : vector<16xf32>
    %add3A_279 = arith.constant 9.99999971E-10 : f32
    %add3A_280 = vector.broadcast %add3A_279 : f32 to vector<16xf32>
    %add3A_281 = arith.addf %abs3A, %add3A_280 : vector<16xf32>
    %div3A = arith.divf %add3A_278, %add3A_281 : vector<16xf32>
    %mul3A_282 = arith.mulf %get3A_237, %div3A : vector<16xf32>
    %sub3A_283 = arith.constant 1.000000e+00 : f32
    %sub3A_284 = vector.broadcast %sub3A_283 : f32 to vector<16xf32>
    %sub3A_285 = arith.subf %sub3A_284, %mul3A_282 : vector<16xf32>
    %add3A_286 = arith.constant 9.99999971E-10 : f32
    %add3A_287 = vector.broadcast %add3A_286 : f32 to vector<16xf32>
    %add3A_288 = arith.addf %sub3A_285, %add3A_287 : vector<16xf32>
    %div3A_289 = arith.divf %get3A_235, %add3A_288 : vector<16xf32>
    %mul3A_290 = arith.mulf %div3A_289, %select_n3A_81 : vector<16xf32>
    %mul3A_291 = arith.mulf %mul3A_275, %select_n3A_102 : vector<16xf32>
    %add3A_292 = arith.addf %mul3A_290, %mul3A_291 : vector<16xf32>
    %mul3A_293 = vector.broadcast %add3A_225 : f32 to vector<16xf32>
    %mul3A_294 = arith.mulf %mul3A_32, %mul3A_293 : vector<16xf32>
    %add3A_295 = arith.addf %add3A_292, %mul3A_294 : vector<16xf32>
    %mul3A_296 = vector.broadcast %add3A_233 : f32 to vector<16xf32>
    %mul3A_297 = arith.mulf %add3A_59, %mul3A_296 : vector<16xf32>
    %add3A_298 = arith.addf %add3A_295, %mul3A_297 : vector<16xf32>
    %mul3A_299 = arith.constant 1.000000e-01 : f32
    %mul3A_300 = vector.broadcast %mul3A_299 : f32 to vector<16xf32>
    %mul3A_301 = arith.mulf %mul3A_300, %add3A_298 : vector<16xf32>
    %add3A_302 = arith.addf %select_n3A_102, %mul3A_301 : vector<16xf32>
    %mul3A_303 = arith.mulf %get3A_239, %add3A_302 : vector<16xf32>
    %add3A_304 = arith.addf %mul3A_303, %get3A_241 : vector<16xf32>
    %jit3A = arith.constant -1.57079637 : f32
    %jit3A_305 = arith.constant 1.57079637 : f32
    %max3A = vector.broadcast %jit3A : f32 to vector<16xf32>
    %max3A_306 = arith.maximumf %max3A, %add3A_304 : vector<16xf32>
    %min3A = vector.broadcast %jit3A_305 : f32 to vector<16xf32>
    %min3A_307 = arith.minimumf %min3A, %max3A_306 : vector<16xf32>
    %swap3A = arith.constant 0 : index
    %swap3A_308 = tpu.vector_load %arg17[%swap3A] {strides = array<i32>} : memref<32xf32, #tpu.memory_space<vmem>>, vector<16xf32>,
    tpu.vector_store %arg17[%swap3A], %min3A_307 {strides = array<i32>} : memref<32xf32, #tpu.memory_space<vmem>>, vector<16xf32>,
    %get3A_309 = arith.constant 16 : index
    %get3A_310 = tpu.vector_load %arg12[%get3A_309] {strides = array<i32>} : memref<32xf32, #tpu.memory_space<vmem>>, vector<16xf32>,
    %get3A_311 = arith.constant 16 : index
    %get3A_312 = tpu.vector_load %arg13[%get3A_311] {strides = array<i32>} : memref<32xf32, #tpu.memory_space<vmem>>, vector<16xf32>,
    %get3A_313 = arith.constant 16 : index
    %get3A_314 = tpu.vector_load %arg11[%get3A_313] {strides = array<i32>} : memref<32xf32, #tpu.memory_space<vmem>>, vector<16xf32>,
    %get3A_315 = arith.constant 16 : index
    %get3A_316 = tpu.vector_load %arg14[%get3A_315] {strides = array<i32>} : memref<32xf32, #tpu.memory_space<vmem>>, vector<16xf32>,
    %get3A_317 = arith.constant 32 : index
    %get3A_318 = tpu.vector_load %arg16[%get3A_317] {strides = array<i32>} : memref<64xf32, #tpu.memory_space<vmem>>, vector<16xf32>,
    %get3A_319 = arith.constant 48 : index
    %get3A_320 = tpu.vector_load %arg16[%get3A_319] {strides = array<i32>} : memref<64xf32, #tpu.memory_space<vmem>>, vector<16xf32>,
    %lt3A_321 = arith.constant 0 : i32
    %lt3A_322 = vector.broadcast %lt3A_321 : i32 to vector<16xi32>
    %lt3A_323 = arith.cmpi slt, %and3A_3, %lt3A_322 : vector<16xi32>
    %add3A_324 = arith.constant 16 : i32
    %add3A_325 = vector.broadcast %add3A_324 : i32 to vector<16xi32>
    %add3A_326 = arith.addi %and3A_3, %add3A_325 : vector<16xi32>
    %select_n3A_327 = arith.select %lt3A_323, %add3A_326, %and3A_3 : vector<16xi1>, vector<16xi32>
    %broadcast_in_dim3A_328 = vector.shape_cast %select_n3A_327 : vector<16xi32> to vector<16x1xi32>
    %gather3A_329 = vector.shape_cast %broadcast_in_dim3A_328 : vector<16x1xi32> to vector<16xi32>
    %gather3A_330 = tpu.dynamic_gather %get3A_318[%gather3A_329] in [0] : vector<16xf32>, vector<16xi32> -> vector<16xf32>
    %lt3A_331 = arith.constant 0 : i32
    %lt3A_332 = vector.broadcast %lt3A_331 : i32 to vector<16xi32>
    %lt3A_333 = arith.cmpi slt, %and3A_3, %lt3A_332 : vector<16xi32>
    %add3A_334 = arith.constant 16 : i32
    %add3A_335 = vector.broadcast %add3A_334 : i32 to vector<16xi32>
    %add3A_336 = arith.addi %and3A_3, %add3A_335 : vector<16xi32>
    %select_n3A_337 = arith.select %lt3A_333, %add3A_336, %and3A_3 : vector<16xi1>, vector<16xi32>
    %broadcast_in_dim3A_338 = vector.shape_cast %select_n3A_337 : vector<16xi32> to vector<16x1xi32>
    %gather3A_339 = vector.shape_cast %broadcast_in_dim3A_338 : vector<16x1xi32> to vector<16xi32>
    %gather3A_340 = tpu.dynamic_gather %get3A_320[%gather3A_339] in [0] : vector<16xf32>, vector<16xi32> -> vector<16xf32>
    %select_n3A_341 = arith.select %lt3A_7, %gather3A_330, %gather3A_340 : vector<16xi1>, vector<16xf32>
    %mul3A_342 = arith.mulf %select_n3A_196, %select_n3A_196 : vector<16xf32>
    %mul3A_343 = arith.mulf %select_n3A_217, %select_n3A_217 : vector<16xf32>
    %add3A_344 = arith.addf %mul3A_342, %mul3A_343 : vector<16xf32>
    %sub3A_345 = arith.constant 1.000000e+00 : f32
    %sub3A_346 = vector.broadcast %sub3A_345 : f32 to vector<16xf32>
    %sub3A_347 = arith.subf %sub3A_346, %add3A_344 : vector<16xf32>
    %mul3A_348 = arith.constant 1.000000e-01 : f32
    %mul3A_349 = vector.broadcast %mul3A_348 : f32 to vector<16xf32>
    %mul3A_350 = arith.mulf %mul3A_349, %sub3A_347 : vector<16xf32>
    %add3A_351 = arith.constant 9.99999971E-10 : f32
    %add3A_352 = vector.broadcast %add3A_351 : f32 to vector<16xf32>
    %add3A_353 = arith.addf %select_n3A_341, %add3A_352 : vector<16xf32>
    %abs3A_354 = math.absf %select_n3A_341 : vector<16xf32>
    %add3A_355 = arith.constant 9.99999971E-10 : f32
    %add3A_356 = vector.broadcast %add3A_355 : f32 to vector<16xf32>
    %add3A_357 = arith.addf %abs3A_354, %add3A_356 : vector<16xf32>
    %div3A_358 = arith.divf %add3A_353, %add3A_357 : vector<16xf32>
    %mul3A_359 = arith.mulf %get3A_312, %div3A_358 : vector<16xf32>
    %sub3A_360 = arith.constant 1.000000e+00 : f32
    %sub3A_361 = vector.broadcast %sub3A_360 : f32 to vector<16xf32>
    %sub3A_362 = arith.subf %sub3A_361, %mul3A_359 : vector<16xf32>
    %add3A_363 = arith.constant 9.99999971E-10 : f32
    %add3A_364 = vector.broadcast %add3A_363 : f32 to vector<16xf32>
    %add3A_365 = arith.addf %sub3A_362, %add3A_364 : vector<16xf32>
    %div3A_366 = arith.divf %get3A_310, %add3A_365 : vector<16xf32>
    %mul3A_367 = arith.mulf %div3A_366, %select_n3A_196 : vector<16xf32>
    %mul3A_368 = arith.mulf %mul3A_350, %select_n3A_217 : vector<16xf32>
    %add3A_369 = arith.addf %mul3A_367, %mul3A_368 : vector<16xf32>
    %mul3A_370 = vector.broadcast %add3A_225 : f32 to vector<16xf32>
    %mul3A_371 = arith.mulf %mul3A_144, %mul3A_370 : vector<16xf32>
    %add3A_372 = arith.addf %add3A_369, %mul3A_371 : vector<16xf32>
    %mul3A_373 = vector.broadcast %add3A_233 : f32 to vector<16xf32>
    %mul3A_374 = arith.mulf %add3A_171, %mul3A_373 : vector<16xf32>
    %add3A_375 = arith.addf %add3A_372, %mul3A_374 : vector<16xf32>
    %mul3A_376 = arith.constant 1.000000e-01 : f32
    %mul3A_377 = vector.broadcast %mul3A_376 : f32 to vector<16xf32>
    %mul3A_378 = arith.mulf %mul3A_377, %add3A_375 : vector<16xf32>
    %add3A_379 = arith.addf %select_n3A_217, %mul3A_378 : vector<16xf32>
    %mul3A_380 = arith.mulf %get3A_314, %add3A_379 : vector<16xf32>
    %add3A_381 = arith.addf %mul3A_380, %get3A_316 : vector<16xf32>
    %jit3A_382 = arith.constant -1.57079637 : f32
    %jit3A_383 = arith.constant 1.57079637 : f32
    %max3A_384 = vector.broadcast %jit3A_382 : f32 to vector<16xf32>
    %max3A_385 = arith.maximumf %max3A_384, %add3A_381 : vector<16xf32>
    %min3A_386 = vector.broadcast %jit3A_383 : f32 to vector<16xf32>
    %min3A_387 = arith.minimumf %min3A_386, %max3A_385 : vector<16xf32>
    %swap3A_388 = arith.constant 16 : index
    %swap3A_389 = tpu.vector_load %arg17[%swap3A_388] {strides = array<i32>} : memref<32xf32, #tpu.memory_space<vmem>>, vector<16xf32>,
    tpu.vector_store %arg17[%swap3A_388], %min3A_387 {strides = array<i32>} : memref<32xf32, #tpu.memory_space<vmem>>, vector<16xf32>,
    "tpu.region"() ({
      %run_scoped3A = tpu.sem_alloc : memref<!tpu.dma_semaphore, #tpu.memory_space<semaphore_mem>>
      tpu.enqueue_dma source(%arg17 : memref<32xf32, #tpu.memory_space<vmem>>) target(%arg9 : memref<32xf32, #tpu.memory_space<hbm>>) target_semaphore(%run_scoped3A : memref<!tpu.dma_semaphore, #tpu.memory_space<semaphore_mem>>)
      tpu.wait_dma2 semaphore(%run_scoped3A : memref<!tpu.dma_semaphore, #tpu.memory_space<semaphore_mem>>) src(%arg17 : memref<32xf32, #tpu.memory_space<vmem>>) dst(%arg9 : memref<32xf32, #tpu.memory_space<hbm>>)
      tpu.yield
    }) : () -> ()
    return
  }
}

</mosaic_0001>

<sc_bundles>
// kernel: kernel.3.cloned.1.call-start
scs
__scs_entry_jumppad:
0x0: {  	(pc) =	sbr.rel $0x88, $3  }
0x1: {  	(tag) =	ssettag $0x0;
	lr =	simm.s32 $0x1  }
0x2: {  	[smem:$0x3F9A] =	sst lr;
	_ =	strace $0xD0000000  }
0x3: {  	_ = 	snop  }
0x4: {  	_ = 	snop  }
0x5: {  	_ = 	snop  }
0x6: {  	_ = 	snop  }
0x7: {  	_ = 	snop  }
__scs_overlays_trampoline_lowered:
0x8: {  	[smem:$0x3FA9] =	sst s0  }
0x9: {  	[smem:$0x3FAA] =	sst s1  }
0xa: {  	[smem:$0x3FAB] =	sst s2  }
0xb: {  	[smem:$0x3FAC] =	sst s3  }
0xc: {  	[smem:$0x3FAD] =	sst s4  }
0xd: {  	[smem:$0x3FAE] =	sst s5  }
0xe: {  	[smem:$0x3FAF] =	sst s6  }
0xf: {  	[smem:$0x3FB0] =	sst s7  }
0x10: {  	[smem:$0x3FB1] =	sst s8  }
0x11: {  	[smem:$0x3FB2] =	sst s9;
	s0 =	simm.s32 @!p0 $0x0  }
0x12: {  	s1 =	sld [smem:$0x3F98];
	s0 =	simm.s32 @p0 $0x1  }
0x13: {  	[smem:$0x3FB3] =	sst s0;
	s0 =	simm.s32 @!p1 $0x0  }
0x14: {  	s2 =	sld [smem:$0x3F97];
	s0 =	simm.s32 @p1 $0x1  }
0x15: {  	[smem:$0x3FB4] =	sst s0;
	s0 =	simm.s32 @!p2 $0x0  }
0x16: {  	s3 =	sld [smem:$0x3FDB];
	s0 =	simm.s32 @p2 $0x1  }
0x17: {  	s4 =	simm.s32 $0x1BF5;
	[smem:$0x3FB6] =	sst s0  }
0x18: {  	s0 =	sld [smem:$0x3F99];
	_ =	swait.ge [sflag:s4], $0x0  }
0x19: {  	s7 =	sld [smem:$0x3F9A]  }
0x1a: {  	s8 =	sadd.s32 $0xFFFFE003, lr  }
0x1b: {  	s9 =	sadd.s32 $0xFFFFFEF7, lr;
	s5 =	simm.s32 $0xFFFFFFFF;
	p2 =	slt.u32 s8, $0xFFFFF086  }
0x1c: {  	p1 =	slt.u32 s9, $0xF7A;
	s5 =	simm.s32 @!p2 $0x0  }
0x1d: {  	s5 =	simm.s32 @p1 $0x1;
	p0 =	seq.s32 s7, s2  }
0x1e: {  	s7 =	smul.u32 @!p0 $0xF7A, s2;
	p2 =	seq.s32 @!p0 s5, $0x0  }
0x1f: {  	s9 =	smul.u32 $0xF7A, s1;
	s8 =	simm.s32 @!p0 $0x1BF5;
	p2 =	por !p2, p0  }
0x20: {  	[sflag:s8] =	ssyncset.s32 @!p0 $0xFFFFF086;
	s6 =	sadd.s32 @!p0 s3, s7;
	s7 =	simm.s32 @!p0 $0x108  }
0x21: {  	s3 =	sadd.s32 s3, s9;
	s6 =	sadd.s32 @!p0 $0x88, s6;
	s7 =	simm.s32 @p2 $0x1082  }
0x22: {  	[simem:s7], [sflag:s8] =	dma.local @!p0 [hbm:s6], $0xF7A  }
0x23: {  	s9 =	sor.u32 $0xD0000000, s2;
	s6 =	simm.s32 $0x108;
	_ =	swait.ge @!p0 [sflag:s8], $0x0  }
0x24: {  	s3 =	sadd.s32 $0x88, s3;
	s6 =	simm.s32 @!p1 $0x1082;
	[sflag:s4] =	ssyncset.s32 $0xFFFFF086  }
0x25: {  	[simem:s6], [sflag:s4] =	dma.local [hbm:s3], $0xF7A  }
0x26: {  	[smem:$0x3F9A] =	sst s1;
	(tag) =	ssettag s2;
	_ =	strace s9  }
0x27: {  	s1 =	sld [smem:$0x3FAA]  }
0x28: {  	s2 =	sld [smem:$0x3FAB]  }
0x29: {  	s4 =	sld [smem:$0x3FAD]  }
0x2a: {  	p0 =	seq.s32 s5, $0x0;
	s5 =	sld [smem:$0x3FAE]  }
0x2b: {  	s6 =	sld [smem:$0x3FAF]  }
0x2c: {  	s7 =	sld [smem:$0x3FB0]  }
0x2d: {  	s3 =	simm.s32 $0x108;
	s8 =	sld [smem:$0x3FB1]  }
0x2e: {  	s3 =	simm.s32 @!p0 $0x1082;
	s9 =	sld [smem:$0x3FB2]  }
0x2f: {  	lr =	sadd.s32 s0, s3;
	s0 =	sld [smem:$0x3FA9]  }
0x30: {  	s3 =	sld [smem:$0x3FAC]  }
0x31: {  	[smem:$0x3FB5] =	sst s10  }
0x32: {  	s10 =	sld [smem:$0x3FB3];
	_ =	sdelay $0x3  }
0x33: {  	p0 =	seq.s32 s10, $0x1;
	s10 =	sld [smem:$0x3FB5];
	_ =	sdelay $0x3  }
0x34: {  	[smem:$0x3FB5] =	sst s10  }
0x35: {  	s10 =	sld [smem:$0x3FB4];
	_ =	sdelay $0x3  }
0x36: {  	p1 =	seq.s32 s10, $0x1;
	s10 =	sld [smem:$0x3FB5];
	_ =	sdelay $0x3  }
0x37: {  	[smem:$0x3FB5] =	sst s10  }
0x38: {  	s10 =	sld [smem:$0x3FB6]  }
0x39: {  	_ = 	snop;
	(pc) =	sbr.ind lr, $3  }
0x3a: {  	_ = 	snop  }
0x3b: {  	_ = 	snop  }
0x3c: {  	p2 =	seq.s32 s10, $0x1;
	s10 =	sld [smem:$0x3FB5]  }
0x3d: {  	_ =	shalt  }
0x3e: {  	_ =	shalt  }
0x3f: {  	_ =	shalt  }
0x40: {  	_ =	shalt  }
0x41: {  	_ =	shalt  }
0x42: {  	_ =	shalt  }
0x43: {  	_ =	shalt  }
0x44: {  	_ =	shalt  }
0x45: {  	_ =	shalt  }
0x46: {  	_ =	shalt  }
0x47: {  	_ =	shalt  }
0x48: {  	_ =	shalt  }
0x49: {  	_ =	shalt  }
0x4a: {  	_ =	shalt  }
0x4b: {  	_ =	shalt  }
0x4c: {  	_ =	shalt  }
0x4d: {  	_ =	shalt  }
0x4e: {  	_ =	shalt  }
0x4f: {  	_ =	shalt  }
0x50: {  	_ =	shalt  }
0x51: {  	_ =	shalt  }
0x52: {  	_ =	shalt  }
0x53: {  	_ =	shalt  }
0x54: {  	_ =	shalt  }
0x55: {  	_ =	shalt  }
0x56: {  	_ =	shalt  }
0x57: {  	_ =	shalt  }
0x58: {  	_ =	shalt  }
0x59: {  	_ =	shalt  }
0x5a: {  	_ =	shalt  }
0x5b: {  	_ =	shalt  }
0x5c: {  	_ =	shalt  }
0x5d: {  	_ =	shalt  }
0x5e: {  	_ =	shalt  }
0x5f: {  	_ =	shalt  }
0x60: {  	_ =	shalt  }
0x61: {  	_ =	shalt  }
0x62: {  	_ =	shalt  }
0x63: {  	_ =	shalt  }
0x64: {  	_ =	shalt  }
0x65: {  	_ =	shalt  }
0x66: {  	_ =	shalt  }
0x67: {  	_ =	shalt  }
0x68: {  	_ =	shalt  }
0x69: {  	_ =	shalt  }
0x6a: {  	_ =	shalt  }
0x6b: {  	_ =	shalt  }
0x6c: {  	_ =	shalt  }
0x6d: {  	_ =	shalt  }
0x6e: {  	_ =	shalt  }
0x6f: {  	_ =	shalt  }
0x70: {  	_ =	shalt  }
0x71: {  	_ =	shalt  }
0x72: {  	_ =	shalt  }
0x73: {  	_ =	shalt  }
0x74: {  	_ =	shalt  }
0x75: {  	_ =	shalt  }
0x76: {  	_ =	shalt  }
0x77: {  	_ =	shalt  }
0x78: {  	_ =	shalt  }
0x79: {  	_ =	shalt  }
0x7a: {  	_ =	shalt  }
0x7b: {  	_ =	shalt  }
0x7c: {  	_ =	shalt  }
0x7d: {  	_ =	shalt  }
0x7e: {  	_ =	shalt  }
0x7f: {  	_ =	shalt  }
0x80: {  	_ =	shalt  }
0x81: {  	_ =	shalt  }
0x82: {  	_ =	shalt  }
0x83: {  	_ =	shalt  }
0x84: {  	_ =	shalt  }
0x85: {  	_ =	shalt  }
0x86: {  	_ =	shalt  }
0x87: {  	_ =	shalt  }
.Lfunc_end0:
.L_simem_size_0:
called_computation_lowered:
.L_overlay_start_0:
0x88: {  	s0 =	sld [smem:$0x3FD9]  }
0x89: {  	s1 =	sld [smem:$0x3FFE];
	_ =	sdelay $0x3  }
0x8a: {  	s0 =	sadd.s32 s1, s0  }
0x8b: {  	[smem:$0x3FC1] =	sst s0  }
0x8c: {  	_ = 	snop  }
0x8d: {  	s0 =	sld [smem:$0x3FC9]  }
0x8e: {  	s16 =	sld [smem:$0x3FC8]  }
0x8f: {  	s2 =	sld [smem:$0x3FC7]  }
0x90: {  	s3 =	sld [smem:$0x3FC6]  }
0x91: {  	s4 =	sld [smem:$0x3FC5]  }
0x92: {  	s5 =	sld [smem:$0x3FD0];
	(tm) =	ssettm $0x1  }
0x93: {  	s6 =	sld [smem:$0x3FFB];
	_ =	sdelay $0x3  }
0x94: {  	_ =	strace s6  }
0x95: {  	s6 =	sld [smem:$0x3FFC];
	_ =	sdelay $0x3  }
0x96: {  	_ =	strace s6  }
0x97: {  	s6 =	sld [smem:$0x3FFD];
	_ =	sdelay $0x3  }
0x98: {  	_ =	strace s6  }
0x99: {  	_ =	strace $0x8FFFFFFF  }
0x9a: {  	s17 =	sld [smem:$0x3FDB];
	_ =	sdelay $0x1  }
0x9b: {  	s7 =	simm.s32 $_scs_section_size  }
0x9c: {  	s8 =	simm.s32 $_size__tile_overlayer_lowered;
	s9 =	simm.s32 $_tile_overlayer_lowered  }
0x9d: {  	s20 =	simm.s32 $0x1BFF;
	s19 =	sshll.u32 s9, $0x1;
	s6 =	sadd.s32 s7, s17  }
0x9e: {  	s10 =	simm.s32 $0x0;
	s18 =	sshll.u32 s8, $0x1;
	s8 =	sadd.s32 s19, s6  }
0x9f: {  	[timem:s10], [sflag:s20] =	dma.local [hbm:s8], s18  }
0xa0: {  	_ =	swait.ge [sflag:s20], s18  }
0xa1: {  	s7 =	ssub.s32 $0x0, s18;
	[sflag:s20] =	ssyncset.done $0x0  }
0xa2: {  	[sflag:s20] =	ssyncadd.s32 s7;
	_ =	sdelay $0x1  }
0xa3: {  	s21 =	simm.s32 $0x1B8B  }
0xa4: {  	_ =	swait.ge [sflag:s21], $0x1  }
0xa5: {  	[sflag:s21] =	ssyncset.done $0x0  }
0xa6: {  	s23 =	simm.s32 $0x1B8E;
	s22 =	sld [smem:$0x3FFE];
	[sflag:s21] =	ssyncadd.s32 $0xFFFFFFFF  }
0xa7: {  	s24 =	simm.s32 $execute0_lowered;
	[smem:$0x3FD2] =	sst s23  }
0xa8: {  	s8 =	sshll.u32 s24, $0x1;
	_ =	strace $0x80000046;
	[dreg:$0x1] =	wrdreg $0xFFFFFFFF  }
0xa9: {  	s25 =	simm.s32 $_size_execute0_lowered;
	s6 =	sadd.s32 s6, s8;
	[dreg:$0x0] =	wrdreg $0x0  }
0xaa: {  	s8 =	sshll.u32 s25, $0x1;
	[dreg:$0x2] =	wrdreg s6  }
0xab: {  	[dreg:$0x3] =	wrdreg s8  }
0xac: {  	[dreg:$0x4] =	wrdreg $0xC0  }
0xad: {  	_ =	task [dreg:s10], $0x5FFFF  }
0xae: {  	[dreg:$0x1] =	wrdreg $0xFFFFFFFF  }
0xaf: {  	[dreg:$0x0] =	wrdreg $0x60  }
0xb0: {  	[dreg:$0x2] =	wrdreg s0  }
0xb1: {  	[dreg:$0x3] =	wrdreg s16  }
0xb2: {  	[dreg:$0x4] =	wrdreg s2  }
0xb3: {  	[dreg:$0x5] =	wrdreg s3  }
0xb4: {  	[dreg:$0x6] =	wrdreg s4  }
0xb5: {  	[dreg:$0x7] =	wrdreg s22  }
0xb6: {  	[dreg:$0x8] =	wrdreg s5  }
0xb7: {  	[dreg:$0x9] =	wrdreg $0x9  }
0xb8: {  	_ =	task.clear_ibuf [dreg:s10], $0xAFFFF;
	_ =	strace $0x90000046  }
0xb9: {  	s26 =	simm.s32 $0x9;
	_ =	strace $0x80000048  }
0xba: {  	_ =	swait.ge [sflag:s26], $0x1  }
0xbb: {  	[sflag:s26] =	ssyncadd.s32 $0xFFFFFFFF  }
0xbc: {  	_ =	strace $0x90000048  }
0xbd: {  	_ =	sfence  }
0xbe: {  	s28 =	sld [smem:$0x0];
	_ =	sdelay $0x1  }
0xbf: {  	s29 =	srdreg.scid  }
0xc0: {  	s30 =	sshll.u32 s29, $0xD;
	s31 =	sshrl.u32 s29, $0x2  }
0xc1: {  	s1 =	sand.u32 $0x1, s29;
	s2 =	sand.u32 $0x4000, s30;
	s0 =	sadd.s32 s31, s28  }
0xc2: {  	s1 =	sor.u32 s2, s1;
	s0 =	sshll.u32 s0, $0x11  }
0xc3: {  	s0 =	sor.u32 s0, s1  }
0xc4: {  	s0 =	sadd.s32 $0x8F2B, s0  }
0xc5: {  	[sflag:s0] =	ssyncadd.remote.s32 $0x1  }
0xc6: {  	_ =	sfence.sel $0xFFFF  }
0xc7: {  	[dreg:$0x0] =	wrdreg $0xFFFFFFFF;
	(pc) =	sbr.abs _section_cstart, $3  }
0xc8: {  	[dreg:$0x1] =	wrdreg $0xFFFFFFFF  }
0xc9: {  	_ =	task.clear_ibuf [dreg:s10], $0x2FFFF;
	_ =	strace $0x9FFFFFFF  }
0xca: {  	(tm) =	ssettm $0x7FFFFFFF  }
0xcb: {  	_ =	shalt  }
tec
execute0_lowered:
.L_overlay_start_1:
0x0: {  	(tag) =	ssettag $0x1  }
0x1: {  	s8 =	rddreg [dreg:$0x0]  }
0x2: {  	s7 =	rddreg [dreg:$0x1];
	s2 =	stileid.u32  }
0x3: {  	s6 =	rddreg [dreg:$0x2];
	p0 =	sne.s32 s2, $0x0  }
.Ltmp0:
0x4: {  	s5 =	rddreg [dreg:$0x3];
	(pc) =	sbr.rel @p0 .LBB2_2-.Ltmp0, $4  }
0x5: {  	s4 =	rddreg [dreg:$0x4]  }
0x6: {  	s3 =	rddreg [dreg:$0x5]  }
0x7: {  	s1 =	rddreg [dreg:$0x6]  }
0x8: {  	s0 =	rddreg [dreg:$0x7];
	_ =	strace $0x80000047  }
0x9: {  	s2 =	simm.s32 $0x0  }
0xa: {  	[tilespmem:s2], [sflag:$0x1] =	stream.linear.gather [hbm4b:s8+s2], $0x80, $0x38;
	[tilespmem:$0x400] =	vst v63  }
0xb: {  	s16 =	simm.s32 $0x80  }
0xc: {  	[tilespmem:s16], [sflag:$0x1] =	stream.linear.gather [hbm4b:s7+s2], $0x80, $0x38;
	[tilespmem:$0x400] =	vst v63  }
0xd: {  	s17 =	simm.s32 $0x100  }
0xe: {  	[tilespmem:s17], [sflag:$0x1] =	stream.linear.gather [hbm4b:s6+s2], $0x80, $0x38;
	[tilespmem:$0x400] =	vst v63  }
0xf: {  	s18 =	simm.s32 $0x180  }
0x10: {  	[tilespmem:s18], [sflag:$0x1] =	stream.linear.gather [hbm4b:s5+s2], $0x80, $0x38;
	[tilespmem:$0x400] =	vst v63  }
0x11: {  	s19 =	simm.s32 $0x200  }
0x12: {  	[tilespmem:s19], [sflag:$0x1] =	stream.linear.gather [hbm4b:s4+s2], $0x80, $0x38;
	[tilespmem:$0x400] =	vst v63  }
0x13: {  	s20 =	sadd.s32 $0x800, s3;
	s21 =	simm.s32 $0x280  }
0x14: {  	[tilespmem:s21], [sflag:$0x1] =	stream.linear.gather [hbm4b:s20+s2], $0x80, $0x38;
	[tilespmem:$0x400] =	vst v63  }
0x15: {  	s22 =	sadd.s32 $0xA00, s3;
	s23 =	simm.s32 $0x300;
	s24 =	simm.s32 $0x1  }
0x16: {  	[tilespmem:s23], [sflag:$0x1] =	stream.linear.gather [hbm4b:s22+s2], $0x80, $0x38;
	[tilespmem:$0x400] =	vst v63  }
0x17: {  	_ =	swait.ge [sflag:s24], $0x80  }
0x18: {  	[sflag:s24] =	ssyncset.done $0x0  }
0x19: {  	[sflag:s24] =	ssyncadd.s32 $0xFFFFFF80  }
0x1a: {  	_ =	swait.ge [sflag:s24], $0x80  }
0x1b: {  	[sflag:s24] =	ssyncset.done $0x0  }
0x1c: {  	[sflag:s24] =	ssyncadd.s32 $0xFFFFFF80  }
0x1d: {  	_ =	swait.ge [sflag:s24], $0x80  }
0x1e: {  	[sflag:s24] =	ssyncset.done $0x0  }
0x1f: {  	[sflag:s24] =	ssyncadd.s32 $0xFFFFFF80  }
0x20: {  	_ =	swait.ge [sflag:s24], $0x80  }
0x21: {  	[sflag:s24] =	ssyncset.done $0x0  }
0x22: {  	[sflag:s24] =	ssyncadd.s32 $0xFFFFFF80  }
0x23: {  	_ =	swait.ge [sflag:s24], $0x80  }
0x24: {  	[sflag:s24] =	ssyncset.done $0x0  }
0x25: {  	[sflag:s24] =	ssyncadd.s32 $0xFFFFFF80  }
0x26: {  	_ =	swait.ge [sflag:s24], $0x80  }
0x27: {  	[sflag:s24] =	ssyncset.done $0x0  }
0x28: {  	[sflag:s24] =	ssyncadd.s32 $0xFFFFFF80  }
0x29: {  	_ =	swait.ge [sflag:s24], $0x80  }
0x2a: {  	[sflag:s24] =	ssyncset.done $0x0  }
0x2b: {  	[sflag:s24] =	ssyncadd.s32 $0xFFFFFF80  }
0x2c: {  	v0 =	vld [tilespmem:$0x0];
	_ =	sdelay $0x1  }
0x2d: {  	v4 =	vld [tilespmem:$0x10]  }
0x2e: {  	v6 =	vld [tilespmem:$0x300]  }
0x2f: {  	v8 =	vld [tilespmem:$0x310]  }
0x30: {  	v9 =	vlaneseq.u32;
	v1 =	vmul.f32 v0, v0  }
0x31: {  	v9 =	vand.u32 $0x7, v9;
	v11 =	vld [tilespmem:$0x280]  }
0x32: {  	v9 =	vmul.u32 $0x2, v9;
	v12 =	vld [tilespmem:$0x290];
	v3 =	vmul.f32 $2.087675590e-09, v1  }
0x33: {  	v5 =	vmul.f32 v4, v4  }
0x34: {  	v6 =	vperm.xlane v6, v9;
	v8 =	vperm.xlane v8, v9;
	v3 =	vadd.f32 $-2.755732000e-07, v3  }
0x35: {  	v2 =	vmul.f32 $2.505210790e-08, v1;
	v10 =	vmul.f32 $2.087675590e-09, v5  }
0x36: {  	v25 =	vor.u32 $0x1, v9;
	v23 =	vperm.xlane v11, v9;
	v3 =	vmul.f32 v3, v1  }
0x37: {  	v24 =	vperm.xlane v12, v9;
	v2 =	vsub.f32 $2.755731880e-06, v2;
	v10 =	vadd.f32 $-2.755732000e-07, v10  }
0x38: {  	v11 =	vperm.xlane v11, v25;
	v7 =	vmul.f32 $2.505210790e-08, v5;
	v3 =	vadd.f32 $2.480158760e-05, v3  }
0x39: {  	vm0 =	vmmov $0xff;
	v13 =	vld [tilespmem:$0x2A0];
	v2 =	vmul.f32 v2, v1;
	v10 =	vmul.f32 v10, v5  }
0x3a: {  	v15 =	vld [tilespmem:$0x320];
	v6 =	vsel vm0, v6, v8;
	v7 =	vsub.f32 $2.755731880e-06, v7;
	v3 =	vmul.f32 v3, v1  }
0x3b: {  	v20 =	vand.u32 $0x7FFFFFFF, v6;
	v2 =	vadd.f32 $-1.984127010e-04, v2;
	v19 =	vadd.f32 $2.480158760e-05, v10  }
0x3c: {  	v12 =	vperm.xlane v12, v25;
	v10 =	vadd.f32 $9.999999710e-10, v20;
	v3 =	vadd.f32 $-1.388888920e-03, v3  }
0x3d: {  	v7 =	vmul.f32 v7, v5;
	v2 =	vmul.f32 v2, v1  }
0x3e: {  	v27 =	vld [tilespmem:$0x330];
	(erf) = vrcp.f32 v10;
	v3 =	vmul.f32 v3, v1  }
0x3f: {  	v29 =	vld [tilespmem:$0x2B0];
	v32 =	vperm.xlane v13, v9;
	v7 =	vadd.f32 $-1.984127010e-04, v7;
	v2 =	vadd.f32 $8.333333770e-03, v2  }
0x40: {  	v15 =	vperm.xlane v15, v9;
	v8 =	vmul.f32 v19, v5;
	v3 =	vadd.f32 $4.166666790e-02, v3  }
0x41: {  	v7 =	vmul.f32 v7, v5;
	v2 =	vmul.f32 v2, v1  }
0x42: {  	v26 =	vsel vm0, v11, v12;
	v8 =	vadd.f32 $-1.388888920e-03, v8;
	v3 =	vmul.f32 v3, v1  }
0x43: {  	v11 =	vperm.xlane v27, v9;
	v7 =	vadd.f32 $8.333333770e-03, v7;
	v2 =	vadd.f32 $-1.666666720e-01, v2  }
0x44: {  	v9 =	vperm.xlane v29, v9;
	v22 =	vmul.f32 v8, v5;
	v3 =	vadd.f32 $-5.000000000e-01, v3  }
0x45: {  	v7 =	vmul.f32 v7, v5;
	v2 =	vmul.f32 v2, v1  }
0x46: {  	v14 =	vld [tilespmem:$0x180];
	v6 =	vadd.f32 $9.999999710e-10, v6;
	v1 =	vmul.f32 v3, v1;
	v3 =	vadd.f32 $4.166666790e-02, v22  }
0x47: {  	v13 =	vperm.xlane v13, v25;
	v21 =	vadd.f32 $-1.666666720e-01, v7;
	v16 =	vpop (erf);
	v2 =	vadd.f32 $1.000000000e+00, v2  }
0x48: {  	v9 =	vsel vm0, v32, v9;
	v6 =	vmul.f32 v16, v6;
	v3 =	vmul.f32 v3, v5  }
0x49: {  	v11 =	vsel vm0, v15, v11;
	v0 =	vmul.f32 v2, v0;
	v2 =	vmul.f32 v21, v5  }
0x4a: {  	v7 =	vsel vm0, v23, v24;
	v1 =	vadd.f32 $1.000000000e+00, v1;
	v3 =	vadd.f32 $-5.000000000e-01, v3  }
0x4b: {  	v6 =	vmul.f32 v6, v14;
	v2 =	vadd.f32 $1.000000000e+00, v2;
	v30 =	vmul.f32 v0, v26  }
0x4c: {  	v34 =	vand.u32 $0x7FFFFFFF, v11;
	v28 =	vmul.f32 v1, v7;
	v3 =	vmul.f32 v3, v5  }
0x4d: {  	v6 =	vsub.f32 $1.000000000e+00, v6;
	v2 =	vmul.f32 v2, v4;
	v4 =	vperm.xlane v29, v25  }
0x4e: {  	v33 =	vmul.f32 v0, v7;
	v31 =	vmul.f32 v1, v26;
	v3 =	vadd.f32 $1.000000000e+00, v3  }
0x4f: {  	v6 =	vadd.f32 $9.999999710e-10, v6;
	v12 =	vadd.f32 v28, v30;
	v4 =	vsel vm0, v13, v4  }
0x50: {  	v13 =	vadd.f32 $9.999999710e-10, v34;
	v35 =	vmul.f32 v2, v4;
	v14 =	vmul.f32 v3, v9  }
0x51: {  	v5 =	vsub.f32 v31, v33;
	(erf) = vrcp.f32 v6;
	v38 =	vmul.f32 v2, v9  }
0x52: {  	(xrf2) =	vadd.scan.msk.f32 $0xffff, v12;
	(erf) = vrcp.f32 v13;
	v36 =	vmul.f32 v3, v4;
	v37 =	vadd.f32 v14, v35  }
0x53: {  	(xrf2) =	vadd.scan.msk.f32 $0xffff, v5  }
0x54: {  	v39 =	vsub.f32 v36, v38;
	(xrf2) =	vadd.scan.msk.f32 $0xffff, v37;
	_ =	sdelay $0x1  }
0x55: {  	(xrf2) =	vadd.scan.msk.f32 $0xffff, v39;
	_ =	sdelay $0x2  }
0x56: {  	v40 =	vld [tilespmem:$0x190]  }
0x57: {  	v42 =	vadd.f32 $9.999999710e-10, v11;
	v41 =	vpop (erf)  }
0x58: {  	v43 =	vpop (erf)  }
0x59: {  	v44, _, _ =	vpop (xrf2);
	v10 =	vmul.f32 v43, v42  }
0x5a: {  	v45, _, _ =	vpop (xrf2);
	(v2sf) =	vpush v44, $0xF  }
0x5b: {  	(v2sf) =	vpush v45, $0xF;
	v5 =	vmul.f32 v10, v40;
	v46, _, _ =	vpop (xrf2)  }
0x5c: {  	(v2sf) =	vpush v46, $0xF  }
0x5d: {  	v5 =	vsub.f32 $1.000000000e+00, v5;
	v47, _, _ =	vpop (xrf2)  }
0x5e: {  	(v2sf) =	vpush v47, $0xF  }
0x5f: {  	v5 =	vadd.f32 $9.999999710e-10, v5;
	_ =	sdelay $0x1  }
0x60: {  	(erf) = vrcp.f32 v5;
	_ =	sdelay $0x2  }
0x61: {  	v49 =	vmul.f32 v26, v26;
	v48 =	vmul.f32 v7, v7  }
0x62: {  	v50 =	vld [tilespmem:$0x100];
	v51 =	vmul.f32 v9, v9;
	v52 =	vmul.f32 v4, v4  }
0x63: {  	v53 =	vld [tilespmem:$0x110];
	v5 =	vadd.f32 v49, v48  }
0x64: {  	v12 =	vadd.f32 v52, v51  }
0x65: {  	v5 =	vsub.f32 $1.000000000e+00, v5  }
0x66: {  	v12 =	vsub.f32 $1.000000000e+00, v12;
	s25 =	spop (v2sf)  }
0x67: {  	v6 =	vmul.f32 v41, v50;
	v5 =	vmul.f32 $1.000000010e-01, v5;
	s26 =	spop (v2sf);
	s3 =	sadd.f32 $0.0e+00, s25;
	v54 =	vpop (erf)  }
0x68: {  	v12 =	vmul.f32 $1.000000010e-01, v12;
	s4 =	sadd.f32 $0.0e+00, s26;
	v10 =	vmul.f32 v54, v53;
	s28 =	spop (v2sf)  }
0x69: {  	v6 =	vmul.f32 v6, v7;
	v5 =	vmul.f32 v5, v26;
	s3 =	sadd.f32 s28, s3  }
0x6a: {  	v56 =	vmul.f32 v12, v4;
	v55 =	vmul.f32 v10, v9;
	s29 =	spop (v2sf)  }
0x6b: {  	v5 =	vadd.f32 v6, v5;
	s4 =	sadd.f32 s29, s4;
	v0 =	vmul.f32 s3, v0  }
0x6c: {  	v57 =	vadd.f32 v55, v56;
	v2 =	vmul.f32 s3, v2  }
0x6d: {  	v1 =	vmul.f32 s4, v1;
	v0 =	vadd.f32 v5, v0  }
0x6e: {  	v3 =	vmul.f32 s4, v3;
	v2 =	vadd.f32 v57, v2  }
0x6f: {  	v0 =	vadd.f32 v0, v1  }
0x70: {  	v58 =	vld [tilespmem:$0x80];
	v2 =	vadd.f32 v2, v3  }
0x71: {  	v59 =	vld [tilespmem:$0x90];
	v0 =	vmul.f32 $1.000000010e-01, v0  }
0x72: {  	v60 =	vld [tilespmem:$0x200];
	v2 =	vmul.f32 $1.000000010e-01, v2  }
0x73: {  	v61 =	vld [tilespmem:$0x210];
	v0 =	vadd.f32 v0, v26  }
0x74: {  	v2 =	vadd.f32 v2, v4  }
0x75: {  	v0 =	vmul.f32 v0, v58  }
0x76: {  	v62 =	vmul.f32 v2, v59  }
0x77: {  	v0 =	vadd.f32 v0, v60  }
0x78: {  	v1 =	vadd.f32 v62, v61  }
0x79: {  	v0 =	vmax.f32 v0, $-1.570796370e+00  }
0x7a: {  	v1 =	vmax.f32 v1, $-1.570796370e+00;
	v0 =	vmin.f32 v0, $1.570796370e+00  }
0x7b: {  	v63 =	vmin.f32 v1, $1.570796370e+00;
	[tilespmem:$0x380] =	vst v0  }
0x7c: {  	s30 =	simm.s32 $0x380;
	s31 =	simm.s32 $0x2;
	[tilespmem:$0x390] =	vst v63  }
0x7d: {  	[hbm4b:s1+s2] =	stream.linear.scatter [tilespmem:s30], [sflag:$0x2], $0x80, $0x38;
	[tilespmem:$0x400] =	vst v63  }
0x7e: {  	_ =	swait.ge [sflag:s31], $0x80  }
0x7f: {  	[sflag:s31] =	ssyncset.done $0x0  }
0x80: {  	[sflag:s31] =	ssyncadd.s32 $0xFFFFFF80  }
.LBB2_2:
0x81: {  	_ =	sfence.sel $0x180000  }
0x82: {  	[bflag:$0x0] =	sbarrier.arrive $0xFFFF  }
0x83: {  	_ =	strace $0x90000047  }
0x84: {  	s0 =	sadd.s32 @!p0 $0x100000, s0;
	[bflag:$0x2] =	sbarrier.arrive $0xFFFF  }
0x85: {  	[sflag:s0] =	ssyncadd.tile.s32 @!p0 $0x1;
	_ =	shalt  }
.Lfunc_end2:
_tile_overlayer_lowered:
.L_overlay_start_2:
0x86: {  	(tag) =	ssettag $0x2  }
0x87: {  	s0 =	rddreg [dreg:$0x0];
	s2 =	stileid.u32  }
0x88: {  	s1 =	rddreg [dreg:$0x1];
	p0 =	sne.s32 s2, $0x0  }
0x89: {  	s3 =	rddreg [dreg:$0x2];
	[bflag:$0x3] =	sbarrier.arrive $0xFFFF;
	s2 =	simm.s32 @!p0 $0x1C02  }
0x8a: {  	[timem:s3], [sflag:s2] =	dma.local @!p0 [hbm:s0], s1  }
0x8b: {  	s0 =	simm.s32 @!p0 $0x2  }
0x8c: {  	_ =	swait.ge @!p0 [sflag:s0], s1  }
0x8d: {  	s1 =	ssub.s32 @!p0 $0x0, s1;
	[sflag:s0] =	ssyncset.done @!p0 $0x0  }
0x8e: {  	[sflag:s0] =	ssyncadd.s32 @!p0 s1  }
0x8f: {  	[bflag:$0x3] =	sbarrier.arrive $0xFFFF  }
0x90: {  	_ =	shalt  }

</sc_bundles>
